<compile_context>
chip_gen: v7x
topology: tpu7x:2x2x1
jax: 0.10.2.dev20260603
libtpu: 0.0.44.dev20260713+nightly
codegen_flags: <defaults>
</compile_context>

<pallas_src>
import functools

import jax
import jax.numpy as jnp
from jax import lax
from jax.experimental import pallas as pl
from jax.experimental.pallas import tpu as pltpu
from jax.experimental.pallas import tpu_sc as plsc

EMB = 128
ROWS_PER_OP = 128
NB = 5


@functools.lru_cache(maxsize=None)
def _build(n_ops_per_worker: int):
    info = plsc.get_sparse_core_info()
    nc, ns = info.num_cores, info.num_subcores
    nw = nc * ns
    rows_per_worker = n_ops_per_worker * ROWS_PER_OP
    total_rows = nw * rows_per_worker

    mesh = plsc.VectorSubcoreMesh(core_axis_name="c", subcore_axis_name="s")

    @functools.partial(
        pl.kernel,
        mesh=mesh,
        out_type=jax.ShapeDtypeStruct((total_rows, EMB), jnp.float32),
        scratch_types=[
            pltpu.VMEM((n_ops_per_worker, ROWS_PER_OP), jnp.int32),
            pltpu.VMEM((NB, ROWS_PER_OP, EMB), jnp.float32),
            pltpu.VMEM_SHARED((EMB, EMB), jnp.float32),
            pltpu.SemaphoreType.DMA,
        ],
    )
    def k(idx_hbm, table_hbm, out_hbm, idx_v, rows_v, table_sp, gsem):
        sid = lax.axis_index("s")
        wid = sid * nc + lax.axis_index("c")
        base = wid * rows_per_worker

        @pl.when(sid == 0)
        def _():
            pltpu.sync_copy(table_hbm, table_sp)

        pltpu.sync_copy(idx_hbm.at[wid], idx_v)
        plsc.subcore_barrier()

        for b in range(NB):
            pltpu.async_copy(table_sp.at[idx_v.at[b]], rows_v.at[b], gsem)

        def group(g, carry):
            for b in range(NB):
                j = g * NB + b
                pltpu.make_async_copy(
                    table_sp.at[idx_v.at[b]], rows_v.at[b], gsem
                ).wait()
                pltpu.sync_copy(
                    rows_v.at[b],
                    out_hbm.at[pl.ds(base + j * ROWS_PER_OP, ROWS_PER_OP)],
                )
                nj = j + NB

                @pl.when(nj < n_ops_per_worker)
                def _():
                    pltpu.async_copy(
                        table_sp.at[idx_v.at[nj]], rows_v.at[b], gsem
                    )

            return carry

        lax.fori_loop(0, n_ops_per_worker // NB, group, 0, unroll=False)

    return k


def kernel(board, W):
    bsz, seq = board.shape
    total = bsz * seq
    info = plsc.get_sparse_core_info()
    nw = info.num_cores * info.num_subcores
    n_ops = total // (nw * ROWS_PER_OP)
    idx = board.reshape(nw, n_ops, ROWS_PER_OP).astype(jnp.int32)
    out = _build(n_ops)(idx, W)
    return out.reshape(bsz, seq, EMB)

# --- scband reference (transcript-rebuilt; emitter-appended) ---
"""Pipeline reference for scband-class-encoding-8589934592253 (READ-ONLY COPY).

The authoritative reference and input builder live on the scoring server;
editing this copy changes nothing except your own understanding.
"""

import jax, jax.numpy as jnp
import numpy as np

EMBEDDING_DIM = 128


def setup_inputs(seed: int = 0) -> dict:
    key = jax.random.key(seed)
    k_idx, k_w = jax.random.split(key)
    board = jax.random.randint(k_idx, (4096, 200), 0, EMBEDDING_DIM, dtype=jnp.int64 if jax.config.jax_enable_x64 else jnp.int32)
    # Build the frozen orthogonal embedding table exactly as the torch module does:
    # SVD of a gaussian matrix, weight = U @ Vh.
    gaussian = jax.random.normal(k_w, (EMBEDDING_DIM, EMBEDDING_DIM), dtype=jnp.float32)
    U, s, Vh = jnp.linalg.svd(gaussian, full_matrices=False)
    W = U @ Vh
    return {"board": board, "W": W}


def reference(board, W):
    # nn.Embedding lookup: out[..., :] = W[board[...], :]
    return jnp.take(W, board, axis=0)

if __name__ == "__main__":
    import jax
    _d = setup_inputs()
    print(jax.jit(kernel)(*tuple(_d.values())))

</pallas_src>

<mosaic_0001>
#map = affine_map<(d0, d1) -> (0, 0, 0)>
#map1 = affine_map<(d0, d1) -> (0, 0)>
module attributes {stable_mosaic.version = 14 : i64} {
  func.func @k(%arg0: i32, %arg1: i32, %arg2: memref<32x200x128xi32, #tpu.memory_space<hbm>>, %arg3: memref<128x128xf32, #tpu.memory_space<hbm>>, %arg4: memref<819200x128xf32, #tpu.memory_space<hbm>>, %arg5: memref<200x128xi32, #tpu.memory_space<vmem>>, %arg6: memref<5x128x128xf32, #tpu.memory_space<vmem>>, %arg7: memref<128x128xf32, #tpu.memory_space<vmem_shared>>, %arg8: memref<!tpu.dma_semaphore, #tpu.memory_space<semaphore_mem>>) attributes {dimension_semantics = [#tpu.dimension_semantics<core_parallel>, #tpu.dimension_semantics<subcore_parallel>], iteration_bounds = array<i64: 2, 16>, scalar_prefetch = 0 : i64, scratch_operands = 4 : i64, tpu.core_type = #tpu.core_type<sc_vector_subcore>, window_params = [{transform_indices = #map}, {transform_indices = #map1}, {transform_indices = #map1}]} {
    %mul3A = arith.constant 2 : i32
    %mul3A_0 = arith.muli %arg1, %mul3A : i32
    %add3A = arith.addi %mul3A_0, %arg0 : i32
    %mul3A_1 = arith.constant 25600 : i32
    %mul3A_2 = arith.muli %add3A, %mul3A_1 : i32
    %eq3A = arith.constant 0 : i32
    %eq3A_3 = arith.cmpi eq, %arg1, %eq3A : i32
    %convert_element_type3A = arith.extui %eq3A_3 : i1 to i32
    %cond3A = arith.constant 0 : i32
    %cond3A_4 = arith.cmpi ne, %convert_element_type3A, %cond3A : i32
    scf.if %cond3A_4 {
      "tpu.region"() ({
        %run_scoped3A = tpu.sem_alloc : memref<!tpu.dma_semaphore, #tpu.memory_space<semaphore_mem>>
        tpu.enqueue_dma source(%arg3 : memref<128x128xf32, #tpu.memory_space<hbm>>) target(%arg7 : memref<128x128xf32, #tpu.memory_space<vmem_shared>>) target_semaphore(%run_scoped3A : memref<!tpu.dma_semaphore, #tpu.memory_space<semaphore_mem>>)
        tpu.wait_dma2 semaphore(%run_scoped3A : memref<!tpu.dma_semaphore, #tpu.memory_space<semaphore_mem>>) src(%arg3 : memref<128x128xf32, #tpu.memory_space<hbm>>) dst(%arg7 : memref<128x128xf32, #tpu.memory_space<vmem_shared>>)
        tpu.yield
      }) : () -> ()
    } else {
    }
    "tpu.region"() ({
      %run_scoped3A = tpu.sem_alloc : memref<!tpu.dma_semaphore, #tpu.memory_space<semaphore_mem>>
      %dma_start3A_69 = arith.constant 0 : i32
      %dma_start3A_70 = arith.constant 0 : i32
      %dma_start3A_71 = tpu.memref_slice %arg2[%add3A, %dma_start3A_69, %dma_start3A_70] : memref<32x200x128xi32, #tpu.memory_space<hbm>> -> memref<1x200x128xi32, #tpu.memory_space<hbm>>
      %dma_start3A_72 = tpu.memref_squeeze %dma_start3A_71 : memref<1x200x128xi32, #tpu.memory_space<hbm>> -> memref<200x128xi32, #tpu.memory_space<hbm>>
      %dma_start3A_73 = arith.constant 0 : i32
      %dma_start3A_74 = arith.constant 0 : i32
      %dma_start3A_75 = tpu.memref_slice %arg2[%add3A, %dma_start3A_73, %dma_start3A_74] : memref<32x200x128xi32, #tpu.memory_space<hbm>> -> memref<1x200x128xi32, #tpu.memory_space<hbm>>
      %dma_start3A_76 = tpu.memref_squeeze %dma_start3A_75 : memref<1x200x128xi32, #tpu.memory_space<hbm>> -> memref<200x128xi32, #tpu.memory_space<hbm>>
      tpu.enqueue_dma source(%dma_start3A_76 : memref<200x128xi32, #tpu.memory_space<hbm>>) target(%arg5 : memref<200x128xi32, #tpu.memory_space<vmem>>) target_semaphore(%run_scoped3A : memref<!tpu.dma_semaphore, #tpu.memory_space<semaphore_mem>>)
      %dma_wait3A = arith.constant 0 : i32
      %dma_wait3A_77 = arith.constant 0 : i32
      %dma_wait3A_78 = tpu.memref_slice %arg2[%add3A, %dma_wait3A, %dma_wait3A_77] : memref<32x200x128xi32, #tpu.memory_space<hbm>> -> memref<1x200x128xi32, #tpu.memory_space<hbm>>
      %dma_wait3A_79 = tpu.memref_squeeze %dma_wait3A_78 : memref<1x200x128xi32, #tpu.memory_space<hbm>> -> memref<200x128xi32, #tpu.memory_space<hbm>>
      %dma_wait3A_80 = arith.constant 0 : i32
      %dma_wait3A_81 = arith.constant 0 : i32
      %dma_wait3A_82 = tpu.memref_slice %arg2[%add3A, %dma_wait3A_80, %dma_wait3A_81] : memref<32x200x128xi32, #tpu.memory_space<hbm>> -> memref<1x200x128xi32, #tpu.memory_space<hbm>>
      %dma_wait3A_83 = tpu.memref_squeeze %dma_wait3A_82 : memref<1x200x128xi32, #tpu.memory_space<hbm>> -> memref<200x128xi32, #tpu.memory_space<hbm>>
      tpu.wait_dma2 semaphore(%run_scoped3A : memref<!tpu.dma_semaphore, #tpu.memory_space<semaphore_mem>>) src(%dma_wait3A_83 : memref<200x128xi32, #tpu.memory_space<hbm>>) dst(%arg5 : memref<200x128xi32, #tpu.memory_space<vmem>>)
      tpu.yield
    }) : () -> ()
    %barrier3A = arith.constant 0 : index
    tpu.barrier barrier_id(%barrier3A)
    %dma_start3A = arith.constant 0 : i32
    %dma_start3A_5 = arith.constant 0 : i32
    %dma_start3A_6 = arith.constant 0 : i32
    %dma_start3A_7 = arith.constant 0 : i32
    %dma_start3A_8 = tpu.memref_slice %arg6[%dma_start3A_5, %dma_start3A_6, %dma_start3A_7] : memref<5x128x128xf32, #tpu.memory_space<vmem>> -> memref<1x128x128xf32, #tpu.memory_space<vmem>>
    %dma_start3A_9 = tpu.memref_squeeze %dma_start3A_8 : memref<1x128x128xf32, #tpu.memory_space<vmem>> -> memref<128x128xf32, #tpu.memory_space<vmem>>
    %dma_start3A_10 = arith.constant 0 : i32
    %dma_start3A_11 = tpu.memref_slice %arg5[%dma_start3A, %dma_start3A_10] : memref<200x128xi32, #tpu.memory_space<vmem>> -> memref<1x128xi32, #tpu.memory_space<vmem>>
    %dma_start3A_12 = tpu.memref_squeeze %dma_start3A_11 : memref<1x128xi32, #tpu.memory_space<vmem>> -> memref<128xi32, #tpu.memory_space<vmem>>
    %dma_start3A_13 = arith.constant 0 : i32
    %dma_start3A_14 = arith.constant 0 : i32
    %dma_start3A_15 = tpu.memref_slice %arg7[%dma_start3A_13, %dma_start3A_14] : memref<128x128xf32, #tpu.memory_space<vmem_shared>> -> memref<128x128xf32, #tpu.memory_space<vmem_shared>>
    tpu.enqueue_indirect_dma source(%dma_start3A_15 : memref<128x128xf32, #tpu.memory_space<vmem_shared>>) target(%dma_start3A_9 : memref<128x128xf32, #tpu.memory_space<vmem>>) offsets(%dma_start3A_12 : memref<128xi32, #tpu.memory_space<vmem>>) semaphore(%arg8 : memref<!tpu.dma_semaphore, #tpu.memory_space<semaphore_mem>>)
    %dma_start3A_16 = arith.constant 1 : i32
    %dma_start3A_17 = arith.constant 1 : i32
    %dma_start3A_18 = arith.constant 0 : i32
    %dma_start3A_19 = arith.constant 0 : i32
    %dma_start3A_20 = tpu.memref_slice %arg6[%dma_start3A_17, %dma_start3A_18, %dma_start3A_19] : memref<5x128x128xf32, #tpu.memory_space<vmem>> -> memref<1x128x128xf32, #tpu.memory_space<vmem>>
    %dma_start3A_21 = tpu.memref_squeeze %dma_start3A_20 : memref<1x128x128xf32, #tpu.memory_space<vmem>> -> memref<128x128xf32, #tpu.memory_space<vmem>>
    %dma_start3A_22 = arith.constant 0 : i32
    %dma_start3A_23 = tpu.memref_slice %arg5[%dma_start3A_16, %dma_start3A_22] : memref<200x128xi32, #tpu.memory_space<vmem>> -> memref<1x128xi32, #tpu.memory_space<vmem>>
    %dma_start3A_24 = tpu.memref_squeeze %dma_start3A_23 : memref<1x128xi32, #tpu.memory_space<vmem>> -> memref<128xi32, #tpu.memory_space<vmem>>
    %dma_start3A_25 = arith.constant 0 : i32
    %dma_start3A_26 = arith.constant 0 : i32
    %dma_start3A_27 = tpu.memref_slice %arg7[%dma_start3A_25, %dma_start3A_26] : memref<128x128xf32, #tpu.memory_space<vmem_shared>> -> memref<128x128xf32, #tpu.memory_space<vmem_shared>>
    tpu.enqueue_indirect_dma source(%dma_start3A_27 : memref<128x128xf32, #tpu.memory_space<vmem_shared>>) target(%dma_start3A_21 : memref<128x128xf32, #tpu.memory_space<vmem>>) offsets(%dma_start3A_24 : memref<128xi32, #tpu.memory_space<vmem>>) semaphore(%arg8 : memref<!tpu.dma_semaphore, #tpu.memory_space<semaphore_mem>>)
    %dma_start3A_28 = arith.constant 2 : i32
    %dma_start3A_29 = arith.constant 2 : i32
    %dma_start3A_30 = arith.constant 0 : i32
    %dma_start3A_31 = arith.constant 0 : i32
    %dma_start3A_32 = tpu.memref_slice %arg6[%dma_start3A_29, %dma_start3A_30, %dma_start3A_31] : memref<5x128x128xf32, #tpu.memory_space<vmem>> -> memref<1x128x128xf32, #tpu.memory_space<vmem>>
    %dma_start3A_33 = tpu.memref_squeeze %dma_start3A_32 : memref<1x128x128xf32, #tpu.memory_space<vmem>> -> memref<128x128xf32, #tpu.memory_space<vmem>>
    %dma_start3A_34 = arith.constant 0 : i32
    %dma_start3A_35 = tpu.memref_slice %arg5[%dma_start3A_28, %dma_start3A_34] : memref<200x128xi32, #tpu.memory_space<vmem>> -> memref<1x128xi32, #tpu.memory_space<vmem>>
    %dma_start3A_36 = tpu.memref_squeeze %dma_start3A_35 : memref<1x128xi32, #tpu.memory_space<vmem>> -> memref<128xi32, #tpu.memory_space<vmem>>
    %dma_start3A_37 = arith.constant 0 : i32
    %dma_start3A_38 = arith.constant 0 : i32
    %dma_start3A_39 = tpu.memref_slice %arg7[%dma_start3A_37, %dma_start3A_38] : memref<128x128xf32, #tpu.memory_space<vmem_shared>> -> memref<128x128xf32, #tpu.memory_space<vmem_shared>>
    tpu.enqueue_indirect_dma source(%dma_start3A_39 : memref<128x128xf32, #tpu.memory_space<vmem_shared>>) target(%dma_start3A_33 : memref<128x128xf32, #tpu.memory_space<vmem>>) offsets(%dma_start3A_36 : memref<128xi32, #tpu.memory_space<vmem>>) semaphore(%arg8 : memref<!tpu.dma_semaphore, #tpu.memory_space<semaphore_mem>>)
    %dma_start3A_40 = arith.constant 3 : i32
    %dma_start3A_41 = arith.constant 3 : i32
    %dma_start3A_42 = arith.constant 0 : i32
    %dma_start3A_43 = arith.constant 0 : i32
    %dma_start3A_44 = tpu.memref_slice %arg6[%dma_start3A_41, %dma_start3A_42, %dma_start3A_43] : memref<5x128x128xf32, #tpu.memory_space<vmem>> -> memref<1x128x128xf32, #tpu.memory_space<vmem>>
    %dma_start3A_45 = tpu.memref_squeeze %dma_start3A_44 : memref<1x128x128xf32, #tpu.memory_space<vmem>> -> memref<128x128xf32, #tpu.memory_space<vmem>>
    %dma_start3A_46 = arith.constant 0 : i32
    %dma_start3A_47 = tpu.memref_slice %arg5[%dma_start3A_40, %dma_start3A_46] : memref<200x128xi32, #tpu.memory_space<vmem>> -> memref<1x128xi32, #tpu.memory_space<vmem>>
    %dma_start3A_48 = tpu.memref_squeeze %dma_start3A_47 : memref<1x128xi32, #tpu.memory_space<vmem>> -> memref<128xi32, #tpu.memory_space<vmem>>
    %dma_start3A_49 = arith.constant 0 : i32
    %dma_start3A_50 = arith.constant 0 : i32
    %dma_start3A_51 = tpu.memref_slice %arg7[%dma_start3A_49, %dma_start3A_50] : memref<128x128xf32, #tpu.memory_space<vmem_shared>> -> memref<128x128xf32, #tpu.memory_space<vmem_shared>>
    tpu.enqueue_indirect_dma source(%dma_start3A_51 : memref<128x128xf32, #tpu.memory_space<vmem_shared>>) target(%dma_start3A_45 : memref<128x128xf32, #tpu.memory_space<vmem>>) offsets(%dma_start3A_48 : memref<128xi32, #tpu.memory_space<vmem>>) semaphore(%arg8 : memref<!tpu.dma_semaphore, #tpu.memory_space<semaphore_mem>>)
    %dma_start3A_52 = arith.constant 4 : i32
    %dma_start3A_53 = arith.constant 4 : i32
    %dma_start3A_54 = arith.constant 0 : i32
    %dma_start3A_55 = arith.constant 0 : i32
    %dma_start3A_56 = tpu.memref_slice %arg6[%dma_start3A_53, %dma_start3A_54, %dma_start3A_55] : memref<5x128x128xf32, #tpu.memory_space<vmem>> -> memref<1x128x128xf32, #tpu.memory_space<vmem>>
    %dma_start3A_57 = tpu.memref_squeeze %dma_start3A_56 : memref<1x128x128xf32, #tpu.memory_space<vmem>> -> memref<128x128xf32, #tpu.memory_space<vmem>>
    %dma_start3A_58 = arith.constant 0 : i32
    %dma_start3A_59 = tpu.memref_slice %arg5[%dma_start3A_52, %dma_start3A_58] : memref<200x128xi32, #tpu.memory_space<vmem>> -> memref<1x128xi32, #tpu.memory_space<vmem>>
    %dma_start3A_60 = tpu.memref_squeeze %dma_start3A_59 : memref<1x128xi32, #tpu.memory_space<vmem>> -> memref<128xi32, #tpu.memory_space<vmem>>
    %dma_start3A_61 = arith.constant 0 : i32
    %dma_start3A_62 = arith.constant 0 : i32
    %dma_start3A_63 = tpu.memref_slice %arg7[%dma_start3A_61, %dma_start3A_62] : memref<128x128xf32, #tpu.memory_space<vmem_shared>> -> memref<128x128xf32, #tpu.memory_space<vmem_shared>>
    tpu.enqueue_indirect_dma source(%dma_start3A_63 : memref<128x128xf32, #tpu.memory_space<vmem_shared>>) target(%dma_start3A_57 : memref<128x128xf32, #tpu.memory_space<vmem>>) offsets(%dma_start3A_60 : memref<128xi32, #tpu.memory_space<vmem>>) semaphore(%arg8 : memref<!tpu.dma_semaphore, #tpu.memory_space<semaphore_mem>>)
    %scan3A = arith.constant 0 : i32
    %scan3A_64 = arith.constant 0 : i32
    %scan3A_65 = arith.constant 40 : i32
    %scan3A_66 = arith.addi %scan3A_64, %scan3A_65 : i32
    %scan3A_67 = arith.constant 1 : i32
    scf.for %scan3A_69 = %scan3A_64 to %scan3A_66 step %scan3A_67  : i32 {
      %mul3A_70 = arith.constant 5 : i32
      %mul3A_71 = arith.muli %scan3A_69, %mul3A_70 : i32
      %add3A_72 = arith.constant 0 : i32
      %add3A_73 = arith.addi %mul3A_71, %add3A_72 : i32
      %dma_wait3A = arith.constant 0 : i32
      %dma_wait3A_74 = arith.constant 0 : i32
      %dma_wait3A_75 = arith.constant 0 : i32
      %dma_wait3A_76 = arith.constant 0 : i32
      %dma_wait3A_77 = tpu.memref_slice %arg6[%dma_wait3A_74, %dma_wait3A_75, %dma_wait3A_76] : memref<5x128x128xf32, #tpu.memory_space<vmem>> -> memref<1x128x128xf32, #tpu.memory_space<vmem>>
      %dma_wait3A_78 = tpu.memref_squeeze %dma_wait3A_77 : memref<1x128x128xf32, #tpu.memory_space<vmem>> -> memref<128x128xf32, #tpu.memory_space<vmem>>
      %dma_wait3A_79 = arith.constant 0 : i32
      %dma_wait3A_80 = tpu.memref_slice %arg5[%dma_wait3A, %dma_wait3A_79] : memref<200x128xi32, #tpu.memory_space<vmem>> -> memref<1x128xi32, #tpu.memory_space<vmem>>
      %dma_wait3A_81 = tpu.memref_squeeze %dma_wait3A_80 : memref<1x128xi32, #tpu.memory_space<vmem>> -> memref<128xi32, #tpu.memory_space<vmem>>
      %dma_wait3A_82 = arith.constant 0 : i32
      %dma_wait3A_83 = arith.constant 0 : i32
      %dma_wait3A_84 = tpu.memref_slice %arg7[%dma_wait3A_82, %dma_wait3A_83] : memref<128x128xf32, #tpu.memory_space<vmem_shared>> -> memref<128x128xf32, #tpu.memory_space<vmem_shared>>
      tpu.wait_indirect_dma semaphore(%arg8 : memref<!tpu.dma_semaphore, #tpu.memory_space<semaphore_mem>>) src(%dma_wait3A_84 : memref<128x128xf32, #tpu.memory_space<vmem_shared>>) dst(%dma_wait3A_78 : memref<128x128xf32, #tpu.memory_space<vmem>>)
      %mul3A_85 = arith.constant 128 : i32
      %mul3A_86 = arith.muli %add3A_73, %mul3A_85 : i32
      %add3A_87 = arith.addi %mul3A_2, %mul3A_86 : i32
      %run_scoped3A = arith.constant 0 : i32
      "tpu.region"() ({
        %run_scoped3A_202 = tpu.sem_alloc : memref<!tpu.dma_semaphore, #tpu.memory_space<semaphore_mem>>
        %dma_start3A_203 = arith.constant 0 : i32
        %dma_start3A_204 = arith.constant 0 : i32
        %dma_start3A_205 = tpu.memref_slice %arg6[%run_scoped3A, %dma_start3A_203, %dma_start3A_204] : memref<5x128x128xf32, #tpu.memory_space<vmem>> -> memref<1x128x128xf32, #tpu.memory_space<vmem>>
        %dma_start3A_206 = tpu.memref_squeeze %dma_start3A_205 : memref<1x128x128xf32, #tpu.memory_space<vmem>> -> memref<128x128xf32, #tpu.memory_space<vmem>>
        %dma_start3A_207 = arith.constant 0 : i32
        %dma_start3A_208 = tpu.memref_slice %arg4[%add3A_87, %dma_start3A_207] : memref<819200x128xf32, #tpu.memory_space<hbm>> -> memref<128x128xf32, #tpu.memory_space<hbm>>
        %dma_start3A_209 = arith.constant 0 : i32
        %dma_start3A_210 = tpu.memref_slice %arg4[%add3A_87, %dma_start3A_209] : memref<819200x128xf32, #tpu.memory_space<hbm>> -> memref<128x128xf32, #tpu.memory_space<hbm>>
        %dma_start3A_211 = arith.constant 0 : i32
        %dma_start3A_212 = arith.constant 0 : i32
        %dma_start3A_213 = tpu.memref_slice %arg6[%run_scoped3A, %dma_start3A_211, %dma_start3A_212] : memref<5x128x128xf32, #tpu.memory_space<vmem>> -> memref<1x128x128xf32, #tpu.memory_space<vmem>>
        %dma_start3A_214 = tpu.memref_squeeze %dma_start3A_213 : memref<1x128x128xf32, #tpu.memory_space<vmem>> -> memref<128x128xf32, #tpu.memory_space<vmem>>
        tpu.enqueue_dma source(%dma_start3A_214 : memref<128x128xf32, #tpu.memory_space<vmem>>) target(%dma_start3A_210 : memref<128x128xf32, #tpu.memory_space<hbm>>) target_semaphore(%run_scoped3A_202 : memref<!tpu.dma_semaphore, #tpu.memory_space<semaphore_mem>>)
        %dma_wait3A_215 = arith.constant 0 : i32
        %dma_wait3A_216 = arith.constant 0 : i32
        %dma_wait3A_217 = tpu.memref_slice %arg6[%run_scoped3A, %dma_wait3A_215, %dma_wait3A_216] : memref<5x128x128xf32, #tpu.memory_space<vmem>> -> memref<1x128x128xf32, #tpu.memory_space<vmem>>
        %dma_wait3A_218 = tpu.memref_squeeze %dma_wait3A_217 : memref<1x128x128xf32, #tpu.memory_space<vmem>> -> memref<128x128xf32, #tpu.memory_space<vmem>>
        %dma_wait3A_219 = arith.constant 0 : i32
        %dma_wait3A_220 = tpu.memref_slice %arg4[%add3A_87, %dma_wait3A_219] : memref<819200x128xf32, #tpu.memory_space<hbm>> -> memref<128x128xf32, #tpu.memory_space<hbm>>
        %dma_wait3A_221 = arith.constant 0 : i32
        %dma_wait3A_222 = tpu.memref_slice %arg4[%add3A_87, %dma_wait3A_221] : memref<819200x128xf32, #tpu.memory_space<hbm>> -> memref<128x128xf32, #tpu.memory_space<hbm>>
        %dma_wait3A_223 = arith.constant 0 : i32
        %dma_wait3A_224 = arith.constant 0 : i32
        %dma_wait3A_225 = tpu.memref_slice %arg6[%run_scoped3A, %dma_wait3A_223, %dma_wait3A_224] : memref<5x128x128xf32, #tpu.memory_space<vmem>> -> memref<1x128x128xf32, #tpu.memory_space<vmem>>
        %dma_wait3A_226 = tpu.memref_squeeze %dma_wait3A_225 : memref<1x128x128xf32, #tpu.memory_space<vmem>> -> memref<128x128xf32, #tpu.memory_space<vmem>>
        tpu.wait_dma2 semaphore(%run_scoped3A_202 : memref<!tpu.dma_semaphore, #tpu.memory_space<semaphore_mem>>) src(%dma_wait3A_226 : memref<128x128xf32, #tpu.memory_space<vmem>>) dst(%dma_wait3A_222 : memref<128x128xf32, #tpu.memory_space<hbm>>)
        tpu.yield
      }) : () -> ()
      %add3A_88 = arith.constant 5 : i32
      %add3A_89 = arith.addi %add3A_73, %add3A_88 : i32
      %lt3A = arith.constant 200 : i32
      %lt3A_90 = arith.cmpi slt, %add3A_89, %lt3A : i32
      %convert_element_type3A_91 = arith.extui %lt3A_90 : i1 to i32
      %cond3A_92 = arith.constant 0 : i32
      %cond3A_93 = arith.cmpi ne, %convert_element_type3A_91, %cond3A_92 : i32
      scf.if %cond3A_93 {
        %dma_start3A_202 = arith.constant 0 : i32
        %dma_start3A_203 = arith.constant 0 : i32
        %dma_start3A_204 = arith.constant 0 : i32
        %dma_start3A_205 = tpu.memref_slice %arg6[%dma_start3A_202, %dma_start3A_203, %dma_start3A_204] : memref<5x128x128xf32, #tpu.memory_space<vmem>> -> memref<1x128x128xf32, #tpu.memory_space<vmem>>
        %dma_start3A_206 = tpu.memref_squeeze %dma_start3A_205 : memref<1x128x128xf32, #tpu.memory_space<vmem>> -> memref<128x128xf32, #tpu.memory_space<vmem>>
        %dma_start3A_207 = arith.constant 0 : i32
        %dma_start3A_208 = tpu.memref_slice %arg5[%add3A_89, %dma_start3A_207] : memref<200x128xi32, #tpu.memory_space<vmem>> -> memref<1x128xi32, #tpu.memory_space<vmem>>
        %dma_start3A_209 = tpu.memref_squeeze %dma_start3A_208 : memref<1x128xi32, #tpu.memory_space<vmem>> -> memref<128xi32, #tpu.memory_space<vmem>>
        %dma_start3A_210 = arith.constant 0 : i32
        %dma_start3A_211 = arith.constant 0 : i32
        %dma_start3A_212 = tpu.memref_slice %arg7[%dma_start3A_210, %dma_start3A_211] : memref<128x128xf32, #tpu.memory_space<vmem_shared>> -> memref<128x128xf32, #tpu.memory_space<vmem_shared>>
        tpu.enqueue_indirect_dma source(%dma_start3A_212 : memref<128x128xf32, #tpu.memory_space<vmem_shared>>) target(%dma_start3A_206 : memref<128x128xf32, #tpu.memory_space<vmem>>) offsets(%dma_start3A_209 : memref<128xi32, #tpu.memory_space<vmem>>) semaphore(%arg8 : memref<!tpu.dma_semaphore, #tpu.memory_space<semaphore_mem>>)
      } else {
      }
      %mul3A_94 = arith.constant 5 : i32
      %mul3A_95 = arith.muli %scan3A_69, %mul3A_94 : i32
      %add3A_96 = arith.constant 1 : i32
      %add3A_97 = arith.addi %mul3A_95, %add3A_96 : i32
      %dma_wait3A_98 = arith.constant 1 : i32
      %dma_wait3A_99 = arith.constant 1 : i32
      %dma_wait3A_100 = arith.constant 0 : i32
      %dma_wait3A_101 = arith.constant 0 : i32
      %dma_wait3A_102 = tpu.memref_slice %arg6[%dma_wait3A_99, %dma_wait3A_100, %dma_wait3A_101] : memref<5x128x128xf32, #tpu.memory_space<vmem>> -> memref<1x128x128xf32, #tpu.memory_space<vmem>>
      %dma_wait3A_103 = tpu.memref_squeeze %dma_wait3A_102 : memref<1x128x128xf32, #tpu.memory_space<vmem>> -> memref<128x128xf32, #tpu.memory_space<vmem>>
      %dma_wait3A_104 = arith.constant 0 : i32
      %dma_wait3A_105 = tpu.memref_slice %arg5[%dma_wait3A_98, %dma_wait3A_104] : memref<200x128xi32, #tpu.memory_space<vmem>> -> memref<1x128xi32, #tpu.memory_space<vmem>>
      %dma_wait3A_106 = tpu.memref_squeeze %dma_wait3A_105 : memref<1x128xi32, #tpu.memory_space<vmem>> -> memref<128xi32, #tpu.memory_space<vmem>>
      %dma_wait3A_107 = arith.constant 0 : i32
      %dma_wait3A_108 = arith.constant 0 : i32
      %dma_wait3A_109 = tpu.memref_slice %arg7[%dma_wait3A_107, %dma_wait3A_108] : memref<128x128xf32, #tpu.memory_space<vmem_shared>> -> memref<128x128xf32, #tpu.memory_space<vmem_shared>>
      tpu.wait_indirect_dma semaphore(%arg8 : memref<!tpu.dma_semaphore, #tpu.memory_space<semaphore_mem>>) src(%dma_wait3A_109 : memref<128x128xf32, #tpu.memory_space<vmem_shared>>) dst(%dma_wait3A_103 : memref<128x128xf32, #tpu.memory_space<vmem>>)
      %mul3A_110 = arith.constant 128 : i32
      %mul3A_111 = arith.muli %add3A_97, %mul3A_110 : i32
      %add3A_112 = arith.addi %mul3A_2, %mul3A_111 : i32
      %run_scoped3A_113 = arith.constant 1 : i32
      "tpu.region"() ({
        %run_scoped3A_202 = tpu.sem_alloc : memref<!tpu.dma_semaphore, #tpu.memory_space<semaphore_mem>>
        %dma_start3A_203 = arith.constant 0 : i32
        %dma_start3A_204 = arith.constant 0 : i32
        %dma_start3A_205 = tpu.memref_slice %arg6[%run_scoped3A_113, %dma_start3A_203, %dma_start3A_204] : memref<5x128x128xf32, #tpu.memory_space<vmem>> -> memref<1x128x128xf32, #tpu.memory_space<vmem>>
        %dma_start3A_206 = tpu.memref_squeeze %dma_start3A_205 : memref<1x128x128xf32, #tpu.memory_space<vmem>> -> memref<128x128xf32, #tpu.memory_space<vmem>>
        %dma_start3A_207 = arith.constant 0 : i32
        %dma_start3A_208 = tpu.memref_slice %arg4[%add3A_112, %dma_start3A_207] : memref<819200x128xf32, #tpu.memory_space<hbm>> -> memref<128x128xf32, #tpu.memory_space<hbm>>
        %dma_start3A_209 = arith.constant 0 : i32
        %dma_start3A_210 = tpu.memref_slice %arg4[%add3A_112, %dma_start3A_209] : memref<819200x128xf32, #tpu.memory_space<hbm>> -> memref<128x128xf32, #tpu.memory_space<hbm>>
        %dma_start3A_211 = arith.constant 0 : i32
        %dma_start3A_212 = arith.constant 0 : i32
        %dma_start3A_213 = tpu.memref_slice %arg6[%run_scoped3A_113, %dma_start3A_211, %dma_start3A_212] : memref<5x128x128xf32, #tpu.memory_space<vmem>> -> memref<1x128x128xf32, #tpu.memory_space<vmem>>
        %dma_start3A_214 = tpu.memref_squeeze %dma_start3A_213 : memref<1x128x128xf32, #tpu.memory_space<vmem>> -> memref<128x128xf32, #tpu.memory_space<vmem>>
        tpu.enqueue_dma source(%dma_start3A_214 : memref<128x128xf32, #tpu.memory_space<vmem>>) target(%dma_start3A_210 : memref<128x128xf32, #tpu.memory_space<hbm>>) target_semaphore(%run_scoped3A_202 : memref<!tpu.dma_semaphore, #tpu.memory_space<semaphore_mem>>)
        %dma_wait3A_215 = arith.constant 0 : i32
        %dma_wait3A_216 = arith.constant 0 : i32
        %dma_wait3A_217 = tpu.memref_slice %arg6[%run_scoped3A_113, %dma_wait3A_215, %dma_wait3A_216] : memref<5x128x128xf32, #tpu.memory_space<vmem>> -> memref<1x128x128xf32, #tpu.memory_space<vmem>>
        %dma_wait3A_218 = tpu.memref_squeeze %dma_wait3A_217 : memref<1x128x128xf32, #tpu.memory_space<vmem>> -> memref<128x128xf32, #tpu.memory_space<vmem>>
        %dma_wait3A_219 = arith.constant 0 : i32
        %dma_wait3A_220 = tpu.memref_slice %arg4[%add3A_112, %dma_wait3A_219] : memref<819200x128xf32, #tpu.memory_space<hbm>> -> memref<128x128xf32, #tpu.memory_space<hbm>>
        %dma_wait3A_221 = arith.constant 0 : i32
        %dma_wait3A_222 = tpu.memref_slice %arg4[%add3A_112, %dma_wait3A_221] : memref<819200x128xf32, #tpu.memory_space<hbm>> -> memref<128x128xf32, #tpu.memory_space<hbm>>
        %dma_wait3A_223 = arith.constant 0 : i32
        %dma_wait3A_224 = arith.constant 0 : i32
        %dma_wait3A_225 = tpu.memref_slice %arg6[%run_scoped3A_113, %dma_wait3A_223, %dma_wait3A_224] : memref<5x128x128xf32, #tpu.memory_space<vmem>> -> memref<1x128x128xf32, #tpu.memory_space<vmem>>
        %dma_wait3A_226 = tpu.memref_squeeze %dma_wait3A_225 : memref<1x128x128xf32, #tpu.memory_space<vmem>> -> memref<128x128xf32, #tpu.memory_space<vmem>>
        tpu.wait_dma2 semaphore(%run_scoped3A_202 : memref<!tpu.dma_semaphore, #tpu.memory_space<semaphore_mem>>) src(%dma_wait3A_226 : memref<128x128xf32, #tpu.memory_space<vmem>>) dst(%dma_wait3A_222 : memref<128x128xf32, #tpu.memory_space<hbm>>)
        tpu.yield
      }) : () -> ()
      %add3A_114 = arith.constant 5 : i32
      %add3A_115 = arith.addi %add3A_97, %add3A_114 : i32
      %lt3A_116 = arith.constant 200 : i32
      %lt3A_117 = arith.cmpi slt, %add3A_115, %lt3A_116 : i32
      %convert_element_type3A_118 = arith.extui %lt3A_117 : i1 to i32
      %cond3A_119 = arith.constant 0 : i32
      %cond3A_120 = arith.cmpi ne, %convert_element_type3A_118, %cond3A_119 : i32
      scf.if %cond3A_120 {
        %dma_start3A_202 = arith.constant 1 : i32
        %dma_start3A_203 = arith.constant 0 : i32
        %dma_start3A_204 = arith.constant 0 : i32
        %dma_start3A_205 = tpu.memref_slice %arg6[%dma_start3A_202, %dma_start3A_203, %dma_start3A_204] : memref<5x128x128xf32, #tpu.memory_space<vmem>> -> memref<1x128x128xf32, #tpu.memory_space<vmem>>
        %dma_start3A_206 = tpu.memref_squeeze %dma_start3A_205 : memref<1x128x128xf32, #tpu.memory_space<vmem>> -> memref<128x128xf32, #tpu.memory_space<vmem>>
        %dma_start3A_207 = arith.constant 0 : i32
        %dma_start3A_208 = tpu.memref_slice %arg5[%add3A_115, %dma_start3A_207] : memref<200x128xi32, #tpu.memory_space<vmem>> -> memref<1x128xi32, #tpu.memory_space<vmem>>
        %dma_start3A_209 = tpu.memref_squeeze %dma_start3A_208 : memref<1x128xi32, #tpu.memory_space<vmem>> -> memref<128xi32, #tpu.memory_space<vmem>>
        %dma_start3A_210 = arith.constant 0 : i32
        %dma_start3A_211 = arith.constant 0 : i32
        %dma_start3A_212 = tpu.memref_slice %arg7[%dma_start3A_210, %dma_start3A_211] : memref<128x128xf32, #tpu.memory_space<vmem_shared>> -> memref<128x128xf32, #tpu.memory_space<vmem_shared>>
        tpu.enqueue_indirect_dma source(%dma_start3A_212 : memref<128x128xf32, #tpu.memory_space<vmem_shared>>) target(%dma_start3A_206 : memref<128x128xf32, #tpu.memory_space<vmem>>) offsets(%dma_start3A_209 : memref<128xi32, #tpu.memory_space<vmem>>) semaphore(%arg8 : memref<!tpu.dma_semaphore, #tpu.memory_space<semaphore_mem>>)
      } else {
      }
      %mul3A_121 = arith.constant 5 : i32
      %mul3A_122 = arith.muli %scan3A_69, %mul3A_121 : i32
      %add3A_123 = arith.constant 2 : i32
      %add3A_124 = arith.addi %mul3A_122, %add3A_123 : i32
      %dma_wait3A_125 = arith.constant 2 : i32
      %dma_wait3A_126 = arith.constant 2 : i32
      %dma_wait3A_127 = arith.constant 0 : i32
      %dma_wait3A_128 = arith.constant 0 : i32
      %dma_wait3A_129 = tpu.memref_slice %arg6[%dma_wait3A_126, %dma_wait3A_127, %dma_wait3A_128] : memref<5x128x128xf32, #tpu.memory_space<vmem>> -> memref<1x128x128xf32, #tpu.memory_space<vmem>>
      %dma_wait3A_130 = tpu.memref_squeeze %dma_wait3A_129 : memref<1x128x128xf32, #tpu.memory_space<vmem>> -> memref<128x128xf32, #tpu.memory_space<vmem>>
      %dma_wait3A_131 = arith.constant 0 : i32
      %dma_wait3A_132 = tpu.memref_slice %arg5[%dma_wait3A_125, %dma_wait3A_131] : memref<200x128xi32, #tpu.memory_space<vmem>> -> memref<1x128xi32, #tpu.memory_space<vmem>>
      %dma_wait3A_133 = tpu.memref_squeeze %dma_wait3A_132 : memref<1x128xi32, #tpu.memory_space<vmem>> -> memref<128xi32, #tpu.memory_space<vmem>>
      %dma_wait3A_134 = arith.constant 0 : i32
      %dma_wait3A_135 = arith.constant 0 : i32
      %dma_wait3A_136 = tpu.memref_slice %arg7[%dma_wait3A_134, %dma_wait3A_135] : memref<128x128xf32, #tpu.memory_space<vmem_shared>> -> memref<128x128xf32, #tpu.memory_space<vmem_shared>>
      tpu.wait_indirect_dma semaphore(%arg8 : memref<!tpu.dma_semaphore, #tpu.memory_space<semaphore_mem>>) src(%dma_wait3A_136 : memref<128x128xf32, #tpu.memory_space<vmem_shared>>) dst(%dma_wait3A_130 : memref<128x128xf32, #tpu.memory_space<vmem>>)
      %mul3A_137 = arith.constant 128 : i32
      %mul3A_138 = arith.muli %add3A_124, %mul3A_137 : i32
      %add3A_139 = arith.addi %mul3A_2, %mul3A_138 : i32
      %run_scoped3A_140 = arith.constant 2 : i32
      "tpu.region"() ({
        %run_scoped3A_202 = tpu.sem_alloc : memref<!tpu.dma_semaphore, #tpu.memory_space<semaphore_mem>>
        %dma_start3A_203 = arith.constant 0 : i32
        %dma_start3A_204 = arith.constant 0 : i32
        %dma_start3A_205 = tpu.memref_slice %arg6[%run_scoped3A_140, %dma_start3A_203, %dma_start3A_204] : memref<5x128x128xf32, #tpu.memory_space<vmem>> -> memref<1x128x128xf32, #tpu.memory_space<vmem>>
        %dma_start3A_206 = tpu.memref_squeeze %dma_start3A_205 : memref<1x128x128xf32, #tpu.memory_space<vmem>> -> memref<128x128xf32, #tpu.memory_space<vmem>>
        %dma_start3A_207 = arith.constant 0 : i32
        %dma_start3A_208 = tpu.memref_slice %arg4[%add3A_139, %dma_start3A_207] : memref<819200x128xf32, #tpu.memory_space<hbm>> -> memref<128x128xf32, #tpu.memory_space<hbm>>
        %dma_start3A_209 = arith.constant 0 : i32
        %dma_start3A_210 = tpu.memref_slice %arg4[%add3A_139, %dma_start3A_209] : memref<819200x128xf32, #tpu.memory_space<hbm>> -> memref<128x128xf32, #tpu.memory_space<hbm>>
        %dma_start3A_211 = arith.constant 0 : i32
        %dma_start3A_212 = arith.constant 0 : i32
        %dma_start3A_213 = tpu.memref_slice %arg6[%run_scoped3A_140, %dma_start3A_211, %dma_start3A_212] : memref<5x128x128xf32, #tpu.memory_space<vmem>> -> memref<1x128x128xf32, #tpu.memory_space<vmem>>
        %dma_start3A_214 = tpu.memref_squeeze %dma_start3A_213 : memref<1x128x128xf32, #tpu.memory_space<vmem>> -> memref<128x128xf32, #tpu.memory_space<vmem>>
        tpu.enqueue_dma source(%dma_start3A_214 : memref<128x128xf32, #tpu.memory_space<vmem>>) target(%dma_start3A_210 : memref<128x128xf32, #tpu.memory_space<hbm>>) target_semaphore(%run_scoped3A_202 : memref<!tpu.dma_semaphore, #tpu.memory_space<semaphore_mem>>)
        %dma_wait3A_215 = arith.constant 0 : i32
        %dma_wait3A_216 = arith.constant 0 : i32
        %dma_wait3A_217 = tpu.memref_slice %arg6[%run_scoped3A_140, %dma_wait3A_215, %dma_wait3A_216] : memref<5x128x128xf32, #tpu.memory_space<vmem>> -> memref<1x128x128xf32, #tpu.memory_space<vmem>>
        %dma_wait3A_218 = tpu.memref_squeeze %dma_wait3A_217 : memref<1x128x128xf32, #tpu.memory_space<vmem>> -> memref<128x128xf32, #tpu.memory_space<vmem>>
        %dma_wait3A_219 = arith.constant 0 : i32
        %dma_wait3A_220 = tpu.memref_slice %arg4[%add3A_139, %dma_wait3A_219] : memref<819200x128xf32, #tpu.memory_space<hbm>> -> memref<128x128xf32, #tpu.memory_space<hbm>>
        %dma_wait3A_221 = arith.constant 0 : i32
        %dma_wait3A_222 = tpu.memref_slice %arg4[%add3A_139, %dma_wait3A_221] : memref<819200x128xf32, #tpu.memory_space<hbm>> -> memref<128x128xf32, #tpu.memory_space<hbm>>
        %dma_wait3A_223 = arith.constant 0 : i32
        %dma_wait3A_224 = arith.constant 0 : i32
        %dma_wait3A_225 = tpu.memref_slice %arg6[%run_scoped3A_140, %dma_wait3A_223, %dma_wait3A_224] : memref<5x128x128xf32, #tpu.memory_space<vmem>> -> memref<1x128x128xf32, #tpu.memory_space<vmem>>
        %dma_wait3A_226 = tpu.memref_squeeze %dma_wait3A_225 : memref<1x128x128xf32, #tpu.memory_space<vmem>> -> memref<128x128xf32, #tpu.memory_space<vmem>>
        tpu.wait_dma2 semaphore(%run_scoped3A_202 : memref<!tpu.dma_semaphore, #tpu.memory_space<semaphore_mem>>) src(%dma_wait3A_226 : memref<128x128xf32, #tpu.memory_space<vmem>>) dst(%dma_wait3A_222 : memref<128x128xf32, #tpu.memory_space<hbm>>)
        tpu.yield
      }) : () -> ()
      %add3A_141 = arith.constant 5 : i32
      %add3A_142 = arith.addi %add3A_124, %add3A_141 : i32
      %lt3A_143 = arith.constant 200 : i32
      %lt3A_144 = arith.cmpi slt, %add3A_142, %lt3A_143 : i32
      %convert_element_type3A_145 = arith.extui %lt3A_144 : i1 to i32
      %cond3A_146 = arith.constant 0 : i32
      %cond3A_147 = arith.cmpi ne, %convert_element_type3A_145, %cond3A_146 : i32
      scf.if %cond3A_147 {
        %dma_start3A_202 = arith.constant 2 : i32
        %dma_start3A_203 = arith.constant 0 : i32
        %dma_start3A_204 = arith.constant 0 : i32
        %dma_start3A_205 = tpu.memref_slice %arg6[%dma_start3A_202, %dma_start3A_203, %dma_start3A_204] : memref<5x128x128xf32, #tpu.memory_space<vmem>> -> memref<1x128x128xf32, #tpu.memory_space<vmem>>
        %dma_start3A_206 = tpu.memref_squeeze %dma_start3A_205 : memref<1x128x128xf32, #tpu.memory_space<vmem>> -> memref<128x128xf32, #tpu.memory_space<vmem>>
        %dma_start3A_207 = arith.constant 0 : i32
        %dma_start3A_208 = tpu.memref_slice %arg5[%add3A_142, %dma_start3A_207] : memref<200x128xi32, #tpu.memory_space<vmem>> -> memref<1x128xi32, #tpu.memory_space<vmem>>
        %dma_start3A_209 = tpu.memref_squeeze %dma_start3A_208 : memref<1x128xi32, #tpu.memory_space<vmem>> -> memref<128xi32, #tpu.memory_space<vmem>>
        %dma_start3A_210 = arith.constant 0 : i32
        %dma_start3A_211 = arith.constant 0 : i32
        %dma_start3A_212 = tpu.memref_slice %arg7[%dma_start3A_210, %dma_start3A_211] : memref<128x128xf32, #tpu.memory_space<vmem_shared>> -> memref<128x128xf32, #tpu.memory_space<vmem_shared>>
        tpu.enqueue_indirect_dma source(%dma_start3A_212 : memref<128x128xf32, #tpu.memory_space<vmem_shared>>) target(%dma_start3A_206 : memref<128x128xf32, #tpu.memory_space<vmem>>) offsets(%dma_start3A_209 : memref<128xi32, #tpu.memory_space<vmem>>) semaphore(%arg8 : memref<!tpu.dma_semaphore, #tpu.memory_space<semaphore_mem>>)
      } else {
      }
      %mul3A_148 = arith.constant 5 : i32
      %mul3A_149 = arith.muli %scan3A_69, %mul3A_148 : i32
      %add3A_150 = arith.constant 3 : i32
      %add3A_151 = arith.addi %mul3A_149, %add3A_150 : i32
      %dma_wait3A_152 = arith.constant 3 : i32
      %dma_wait3A_153 = arith.constant 3 : i32
      %dma_wait3A_154 = arith.constant 0 : i32
      %dma_wait3A_155 = arith.constant 0 : i32
      %dma_wait3A_156 = tpu.memref_slice %arg6[%dma_wait3A_153, %dma_wait3A_154, %dma_wait3A_155] : memref<5x128x128xf32, #tpu.memory_space<vmem>> -> memref<1x128x128xf32, #tpu.memory_space<vmem>>
      %dma_wait3A_157 = tpu.memref_squeeze %dma_wait3A_156 : memref<1x128x128xf32, #tpu.memory_space<vmem>> -> memref<128x128xf32, #tpu.memory_space<vmem>>
      %dma_wait3A_158 = arith.constant 0 : i32
      %dma_wait3A_159 = tpu.memref_slice %arg5[%dma_wait3A_152, %dma_wait3A_158] : memref<200x128xi32, #tpu.memory_space<vmem>> -> memref<1x128xi32, #tpu.memory_space<vmem>>
      %dma_wait3A_160 = tpu.memref_squeeze %dma_wait3A_159 : memref<1x128xi32, #tpu.memory_space<vmem>> -> memref<128xi32, #tpu.memory_space<vmem>>
      %dma_wait3A_161 = arith.constant 0 : i32
      %dma_wait3A_162 = arith.constant 0 : i32
      %dma_wait3A_163 = tpu.memref_slice %arg7[%dma_wait3A_161, %dma_wait3A_162] : memref<128x128xf32, #tpu.memory_space<vmem_shared>> -> memref<128x128xf32, #tpu.memory_space<vmem_shared>>
      tpu.wait_indirect_dma semaphore(%arg8 : memref<!tpu.dma_semaphore, #tpu.memory_space<semaphore_mem>>) src(%dma_wait3A_163 : memref<128x128xf32, #tpu.memory_space<vmem_shared>>) dst(%dma_wait3A_157 : memref<128x128xf32, #tpu.memory_space<vmem>>)
      %mul3A_164 = arith.constant 128 : i32
      %mul3A_165 = arith.muli %add3A_151, %mul3A_164 : i32
      %add3A_166 = arith.addi %mul3A_2, %mul3A_165 : i32
      %run_scoped3A_167 = arith.constant 3 : i32
      "tpu.region"() ({
        %run_scoped3A_202 = tpu.sem_alloc : memref<!tpu.dma_semaphore, #tpu.memory_space<semaphore_mem>>
        %dma_start3A_203 = arith.constant 0 : i32
        %dma_start3A_204 = arith.constant 0 : i32
        %dma_start3A_205 = tpu.memref_slice %arg6[%run_scoped3A_167, %dma_start3A_203, %dma_start3A_204] : memref<5x128x128xf32, #tpu.memory_space<vmem>> -> memref<1x128x128xf32, #tpu.memory_space<vmem>>
        %dma_start3A_206 = tpu.memref_squeeze %dma_start3A_205 : memref<1x128x128xf32, #tpu.memory_space<vmem>> -> memref<128x128xf32, #tpu.memory_space<vmem>>
        %dma_start3A_207 = arith.constant 0 : i32
        %dma_start3A_208 = tpu.memref_slice %arg4[%add3A_166, %dma_start3A_207] : memref<819200x128xf32, #tpu.memory_space<hbm>> -> memref<128x128xf32, #tpu.memory_space<hbm>>
        %dma_start3A_209 = arith.constant 0 : i32
        %dma_start3A_210 = tpu.memref_slice %arg4[%add3A_166, %dma_start3A_209] : memref<819200x128xf32, #tpu.memory_space<hbm>> -> memref<128x128xf32, #tpu.memory_space<hbm>>
        %dma_start3A_211 = arith.constant 0 : i32
        %dma_start3A_212 = arith.constant 0 : i32
        %dma_start3A_213 = tpu.memref_slice %arg6[%run_scoped3A_167, %dma_start3A_211, %dma_start3A_212] : memref<5x128x128xf32, #tpu.memory_space<vmem>> -> memref<1x128x128xf32, #tpu.memory_space<vmem>>
        %dma_start3A_214 = tpu.memref_squeeze %dma_start3A_213 : memref<1x128x128xf32, #tpu.memory_space<vmem>> -> memref<128x128xf32, #tpu.memory_space<vmem>>
        tpu.enqueue_dma source(%dma_start3A_214 : memref<128x128xf32, #tpu.memory_space<vmem>>) target(%dma_start3A_210 : memref<128x128xf32, #tpu.memory_space<hbm>>) target_semaphore(%run_scoped3A_202 : memref<!tpu.dma_semaphore, #tpu.memory_space<semaphore_mem>>)
        %dma_wait3A_215 = arith.constant 0 : i32
        %dma_wait3A_216 = arith.constant 0 : i32
        %dma_wait3A_217 = tpu.memref_slice %arg6[%run_scoped3A_167, %dma_wait3A_215, %dma_wait3A_216] : memref<5x128x128xf32, #tpu.memory_space<vmem>> -> memref<1x128x128xf32, #tpu.memory_space<vmem>>
        %dma_wait3A_218 = tpu.memref_squeeze %dma_wait3A_217 : memref<1x128x128xf32, #tpu.memory_space<vmem>> -> memref<128x128xf32, #tpu.memory_space<vmem>>
        %dma_wait3A_219 = arith.constant 0 : i32
        %dma_wait3A_220 = tpu.memref_slice %arg4[%add3A_166, %dma_wait3A_219] : memref<819200x128xf32, #tpu.memory_space<hbm>> -> memref<128x128xf32, #tpu.memory_space<hbm>>
        %dma_wait3A_221 = arith.constant 0 : i32
        %dma_wait3A_222 = tpu.memref_slice %arg4[%add3A_166, %dma_wait3A_221] : memref<819200x128xf32, #tpu.memory_space<hbm>> -> memref<128x128xf32, #tpu.memory_space<hbm>>
        %dma_wait3A_223 = arith.constant 0 : i32
        %dma_wait3A_224 = arith.constant 0 : i32
        %dma_wait3A_225 = tpu.memref_slice %arg6[%run_scoped3A_167, %dma_wait3A_223, %dma_wait3A_224] : memref<5x128x128xf32, #tpu.memory_space<vmem>> -> memref<1x128x128xf32, #tpu.memory_space<vmem>>
        %dma_wait3A_226 = tpu.memref_squeeze %dma_wait3A_225 : memref<1x128x128xf32, #tpu.memory_space<vmem>> -> memref<128x128xf32, #tpu.memory_space<vmem>>
        tpu.wait_dma2 semaphore(%run_scoped3A_202 : memref<!tpu.dma_semaphore, #tpu.memory_space<semaphore_mem>>) src(%dma_wait3A_226 : memref<128x128xf32, #tpu.memory_space<vmem>>) dst(%dma_wait3A_222 : memref<128x128xf32, #tpu.memory_space<hbm>>)
        tpu.yield
      }) : () -> ()
      %add3A_168 = arith.constant 5 : i32
      %add3A_169 = arith.addi %add3A_151, %add3A_168 : i32
      %lt3A_170 = arith.constant 200 : i32
      %lt3A_171 = arith.cmpi slt, %add3A_169, %lt3A_170 : i32
      %convert_element_type3A_172 = arith.extui %lt3A_171 : i1 to i32
      %cond3A_173 = arith.constant 0 : i32
      %cond3A_174 = arith.cmpi ne, %convert_element_type3A_172, %cond3A_173 : i32
      scf.if %cond3A_174 {
        %dma_start3A_202 = arith.constant 3 : i32
        %dma_start3A_203 = arith.constant 0 : i32
        %dma_start3A_204 = arith.constant 0 : i32
        %dma_start3A_205 = tpu.memref_slice %arg6[%dma_start3A_202, %dma_start3A_203, %dma_start3A_204] : memref<5x128x128xf32, #tpu.memory_space<vmem>> -> memref<1x128x128xf32, #tpu.memory_space<vmem>>
        %dma_start3A_206 = tpu.memref_squeeze %dma_start3A_205 : memref<1x128x128xf32, #tpu.memory_space<vmem>> -> memref<128x128xf32, #tpu.memory_space<vmem>>
        %dma_start3A_207 = arith.constant 0 : i32
        %dma_start3A_208 = tpu.memref_slice %arg5[%add3A_169, %dma_start3A_207] : memref<200x128xi32, #tpu.memory_space<vmem>> -> memref<1x128xi32, #tpu.memory_space<vmem>>
        %dma_start3A_209 = tpu.memref_squeeze %dma_start3A_208 : memref<1x128xi32, #tpu.memory_space<vmem>> -> memref<128xi32, #tpu.memory_space<vmem>>
        %dma_start3A_210 = arith.constant 0 : i32
        %dma_start3A_211 = arith.constant 0 : i32
        %dma_start3A_212 = tpu.memref_slice %arg7[%dma_start3A_210, %dma_start3A_211] : memref<128x128xf32, #tpu.memory_space<vmem_shared>> -> memref<128x128xf32, #tpu.memory_space<vmem_shared>>
        tpu.enqueue_indirect_dma source(%dma_start3A_212 : memref<128x128xf32, #tpu.memory_space<vmem_shared>>) target(%dma_start3A_206 : memref<128x128xf32, #tpu.memory_space<vmem>>) offsets(%dma_start3A_209 : memref<128xi32, #tpu.memory_space<vmem>>) semaphore(%arg8 : memref<!tpu.dma_semaphore, #tpu.memory_space<semaphore_mem>>)
      } else {
      }
      %mul3A_175 = arith.constant 5 : i32
      %mul3A_176 = arith.muli %scan3A_69, %mul3A_175 : i32
      %add3A_177 = arith.constant 4 : i32
      %add3A_178 = arith.addi %mul3A_176, %add3A_177 : i32
      %dma_wait3A_179 = arith.constant 4 : i32
      %dma_wait3A_180 = arith.constant 4 : i32
      %dma_wait3A_181 = arith.constant 0 : i32
      %dma_wait3A_182 = arith.constant 0 : i32
      %dma_wait3A_183 = tpu.memref_slice %arg6[%dma_wait3A_180, %dma_wait3A_181, %dma_wait3A_182] : memref<5x128x128xf32, #tpu.memory_space<vmem>> -> memref<1x128x128xf32, #tpu.memory_space<vmem>>
      %dma_wait3A_184 = tpu.memref_squeeze %dma_wait3A_183 : memref<1x128x128xf32, #tpu.memory_space<vmem>> -> memref<128x128xf32, #tpu.memory_space<vmem>>
      %dma_wait3A_185 = arith.constant 0 : i32
      %dma_wait3A_186 = tpu.memref_slice %arg5[%dma_wait3A_179, %dma_wait3A_185] : memref<200x128xi32, #tpu.memory_space<vmem>> -> memref<1x128xi32, #tpu.memory_space<vmem>>
      %dma_wait3A_187 = tpu.memref_squeeze %dma_wait3A_186 : memref<1x128xi32, #tpu.memory_space<vmem>> -> memref<128xi32, #tpu.memory_space<vmem>>
      %dma_wait3A_188 = arith.constant 0 : i32
      %dma_wait3A_189 = arith.constant 0 : i32
      %dma_wait3A_190 = tpu.memref_slice %arg7[%dma_wait3A_188, %dma_wait3A_189] : memref<128x128xf32, #tpu.memory_space<vmem_shared>> -> memref<128x128xf32, #tpu.memory_space<vmem_shared>>
      tpu.wait_indirect_dma semaphore(%arg8 : memref<!tpu.dma_semaphore, #tpu.memory_space<semaphore_mem>>) src(%dma_wait3A_190 : memref<128x128xf32, #tpu.memory_space<vmem_shared>>) dst(%dma_wait3A_184 : memref<128x128xf32, #tpu.memory_space<vmem>>)
      %mul3A_191 = arith.constant 128 : i32
      %mul3A_192 = arith.muli %add3A_178, %mul3A_191 : i32
      %add3A_193 = arith.addi %mul3A_2, %mul3A_192 : i32
      %run_scoped3A_194 = arith.constant 4 : i32
      "tpu.region"() ({
        %run_scoped3A_202 = tpu.sem_alloc : memref<!tpu.dma_semaphore, #tpu.memory_space<semaphore_mem>>
        %dma_start3A_203 = arith.constant 0 : i32
        %dma_start3A_204 = arith.constant 0 : i32
        %dma_start3A_205 = tpu.memref_slice %arg6[%run_scoped3A_194, %dma_start3A_203, %dma_start3A_204] : memref<5x128x128xf32, #tpu.memory_space<vmem>> -> memref<1x128x128xf32, #tpu.memory_space<vmem>>
        %dma_start3A_206 = tpu.memref_squeeze %dma_start3A_205 : memref<1x128x128xf32, #tpu.memory_space<vmem>> -> memref<128x128xf32, #tpu.memory_space<vmem>>
        %dma_start3A_207 = arith.constant 0 : i32
        %dma_start3A_208 = tpu.memref_slice %arg4[%add3A_193, %dma_start3A_207] : memref<819200x128xf32, #tpu.memory_space<hbm>> -> memref<128x128xf32, #tpu.memory_space<hbm>>
        %dma_start3A_209 = arith.constant 0 : i32
        %dma_start3A_210 = tpu.memref_slice %arg4[%add3A_193, %dma_start3A_209] : memref<819200x128xf32, #tpu.memory_space<hbm>> -> memref<128x128xf32, #tpu.memory_space<hbm>>
        %dma_start3A_211 = arith.constant 0 : i32
        %dma_start3A_212 = arith.constant 0 : i32
        %dma_start3A_213 = tpu.memref_slice %arg6[%run_scoped3A_194, %dma_start3A_211, %dma_start3A_212] : memref<5x128x128xf32, #tpu.memory_space<vmem>> -> memref<1x128x128xf32, #tpu.memory_space<vmem>>
        %dma_start3A_214 = tpu.memref_squeeze %dma_start3A_213 : memref<1x128x128xf32, #tpu.memory_space<vmem>> -> memref<128x128xf32, #tpu.memory_space<vmem>>
        tpu.enqueue_dma source(%dma_start3A_214 : memref<128x128xf32, #tpu.memory_space<vmem>>) target(%dma_start3A_210 : memref<128x128xf32, #tpu.memory_space<hbm>>) target_semaphore(%run_scoped3A_202 : memref<!tpu.dma_semaphore, #tpu.memory_space<semaphore_mem>>)
        %dma_wait3A_215 = arith.constant 0 : i32
        %dma_wait3A_216 = arith.constant 0 : i32
        %dma_wait3A_217 = tpu.memref_slice %arg6[%run_scoped3A_194, %dma_wait3A_215, %dma_wait3A_216] : memref<5x128x128xf32, #tpu.memory_space<vmem>> -> memref<1x128x128xf32, #tpu.memory_space<vmem>>
        %dma_wait3A_218 = tpu.memref_squeeze %dma_wait3A_217 : memref<1x128x128xf32, #tpu.memory_space<vmem>> -> memref<128x128xf32, #tpu.memory_space<vmem>>
        %dma_wait3A_219 = arith.constant 0 : i32
        %dma_wait3A_220 = tpu.memref_slice %arg4[%add3A_193, %dma_wait3A_219] : memref<819200x128xf32, #tpu.memory_space<hbm>> -> memref<128x128xf32, #tpu.memory_space<hbm>>
        %dma_wait3A_221 = arith.constant 0 : i32
        %dma_wait3A_222 = tpu.memref_slice %arg4[%add3A_193, %dma_wait3A_221] : memref<819200x128xf32, #tpu.memory_space<hbm>> -> memref<128x128xf32, #tpu.memory_space<hbm>>
        %dma_wait3A_223 = arith.constant 0 : i32
        %dma_wait3A_224 = arith.constant 0 : i32
        %dma_wait3A_225 = tpu.memref_slice %arg6[%run_scoped3A_194, %dma_wait3A_223, %dma_wait3A_224] : memref<5x128x128xf32, #tpu.memory_space<vmem>> -> memref<1x128x128xf32, #tpu.memory_space<vmem>>
        %dma_wait3A_226 = tpu.memref_squeeze %dma_wait3A_225 : memref<1x128x128xf32, #tpu.memory_space<vmem>> -> memref<128x128xf32, #tpu.memory_space<vmem>>
        tpu.wait_dma2 semaphore(%run_scoped3A_202 : memref<!tpu.dma_semaphore, #tpu.memory_space<semaphore_mem>>) src(%dma_wait3A_226 : memref<128x128xf32, #tpu.memory_space<vmem>>) dst(%dma_wait3A_222 : memref<128x128xf32, #tpu.memory_space<hbm>>)
        tpu.yield
      }) : () -> ()
      %add3A_195 = arith.constant 5 : i32
      %add3A_196 = arith.addi %add3A_178, %add3A_195 : i32
      %lt3A_197 = arith.constant 200 : i32
      %lt3A_198 = arith.cmpi slt, %add3A_196, %lt3A_197 : i32
      %convert_element_type3A_199 = arith.extui %lt3A_198 : i1 to i32
      %cond3A_200 = arith.constant 0 : i32
      %cond3A_201 = arith.cmpi ne, %convert_element_type3A_199, %cond3A_200 : i32
      scf.if %cond3A_201 {
        %dma_start3A_202 = arith.constant 4 : i32
        %dma_start3A_203 = arith.constant 0 : i32
        %dma_start3A_204 = arith.constant 0 : i32
        %dma_start3A_205 = tpu.memref_slice %arg6[%dma_start3A_202, %dma_start3A_203, %dma_start3A_204] : memref<5x128x128xf32, #tpu.memory_space<vmem>> -> memref<1x128x128xf32, #tpu.memory_space<vmem>>
        %dma_start3A_206 = tpu.memref_squeeze %dma_start3A_205 : memref<1x128x128xf32, #tpu.memory_space<vmem>> -> memref<128x128xf32, #tpu.memory_space<vmem>>
        %dma_start3A_207 = arith.constant 0 : i32
        %dma_start3A_208 = tpu.memref_slice %arg5[%add3A_196, %dma_start3A_207] : memref<200x128xi32, #tpu.memory_space<vmem>> -> memref<1x128xi32, #tpu.memory_space<vmem>>
        %dma_start3A_209 = tpu.memref_squeeze %dma_start3A_208 : memref<1x128xi32, #tpu.memory_space<vmem>> -> memref<128xi32, #tpu.memory_space<vmem>>
        %dma_start3A_210 = arith.constant 0 : i32
        %dma_start3A_211 = arith.constant 0 : i32
        %dma_start3A_212 = tpu.memref_slice %arg7[%dma_start3A_210, %dma_start3A_211] : memref<128x128xf32, #tpu.memory_space<vmem_shared>> -> memref<128x128xf32, #tpu.memory_space<vmem_shared>>
        tpu.enqueue_indirect_dma source(%dma_start3A_212 : memref<128x128xf32, #tpu.memory_space<vmem_shared>>) target(%dma_start3A_206 : memref<128x128xf32, #tpu.memory_space<vmem>>) offsets(%dma_start3A_209 : memref<128xi32, #tpu.memory_space<vmem>>) semaphore(%arg8 : memref<!tpu.dma_semaphore, #tpu.memory_space<semaphore_mem>>)
      } else {
      }
    }
    %scan3A_68 = arith.constant 40 : i32
    return
  }
}

</mosaic_0001>

<sc_bundles>
// kernel: kernel.3.cloned.1.call-start
scs
__scs_entry_jumppad:
0x0: {  	(pc) =	sbr.rel $0x88, $3  }
0x1: {  	(tag) =	ssettag $0x0;
	lr =	simm.s32 $0x1  }
0x2: {  	[smem:$0x3F9F] =	sst lr;
	_ =	strace $0xD0000000  }
0x3: {  	_ = 	snop  }
0x4: {  	_ = 	snop  }
0x5: {  	_ = 	snop  }
0x6: {  	_ = 	snop  }
0x7: {  	_ = 	snop  }
__scs_overlays_trampoline_lowered:
0x8: {  	[smem:$0x3FAE] =	sst s0  }
0x9: {  	[smem:$0x3FAF] =	sst s1  }
0xa: {  	[smem:$0x3FB0] =	sst s2  }
0xb: {  	[smem:$0x3FB1] =	sst s3  }
0xc: {  	[smem:$0x3FB2] =	sst s4  }
0xd: {  	[smem:$0x3FB3] =	sst s5  }
0xe: {  	[smem:$0x3FB4] =	sst s6  }
0xf: {  	[smem:$0x3FB5] =	sst s7  }
0x10: {  	[smem:$0x3FB6] =	sst s8  }
0x11: {  	[smem:$0x3FB7] =	sst s9;
	s0 =	simm.s32 @!p0 $0x0  }
0x12: {  	s1 =	sld [smem:$0x3F9D];
	s0 =	simm.s32 @p0 $0x1  }
0x13: {  	[smem:$0x3FB8] =	sst s0;
	s0 =	simm.s32 @!p1 $0x0  }
0x14: {  	s2 =	sld [smem:$0x3F9C];
	s0 =	simm.s32 @p1 $0x1  }
0x15: {  	[smem:$0x3FB9] =	sst s0;
	s0 =	simm.s32 @!p2 $0x0  }
0x16: {  	s3 =	sld [smem:$0x3FDB];
	s0 =	simm.s32 @p2 $0x1  }
0x17: {  	s4 =	simm.s32 $0x1BF5;
	[smem:$0x3FBB] =	sst s0  }
0x18: {  	s0 =	sld [smem:$0x3F9E];
	_ =	swait.ge [sflag:s4], $0x0  }
0x19: {  	s7 =	sld [smem:$0x3F9F]  }
0x1a: {  	s8 =	sadd.s32 $0xFFFFE003, lr  }
0x1b: {  	s9 =	sadd.s32 $0xFFFFFEF7, lr;
	s5 =	simm.s32 $0xFFFFFFFF;
	p2 =	slt.u32 s8, $0xFFFFF086  }
0x1c: {  	p1 =	slt.u32 s9, $0xF7A;
	s5 =	simm.s32 @!p2 $0x0  }
0x1d: {  	s5 =	simm.s32 @p1 $0x1;
	p0 =	seq.s32 s7, s2  }
0x1e: {  	s7 =	smul.u32 @!p0 $0xF7A, s2;
	p2 =	seq.s32 @!p0 s5, $0x0  }
0x1f: {  	s9 =	smul.u32 $0xF7A, s1;
	s8 =	simm.s32 @!p0 $0x1BF5;
	p2 =	por !p2, p0  }
0x20: {  	[sflag:s8] =	ssyncset.s32 @!p0 $0xFFFFF086;
	s6 =	sadd.s32 @!p0 s3, s7;
	s7 =	simm.s32 @!p0 $0x108  }
0x21: {  	s3 =	sadd.s32 s3, s9;
	s6 =	sadd.s32 @!p0 $0x88, s6;
	s7 =	simm.s32 @p2 $0x1082  }
0x22: {  	[simem:s7], [sflag:s8] =	dma.local @!p0 [hbm:s6], $0xF7A  }
0x23: {  	s9 =	sor.u32 $0xD0000000, s2;
	s6 =	simm.s32 $0x108;
	_ =	swait.ge @!p0 [sflag:s8], $0x0  }
0x24: {  	s3 =	sadd.s32 $0x88, s3;
	s6 =	simm.s32 @!p1 $0x1082;
	[sflag:s4] =	ssyncset.s32 $0xFFFFF086  }
0x25: {  	[simem:s6], [sflag:s4] =	dma.local [hbm:s3], $0xF7A  }
0x26: {  	[smem:$0x3F9F] =	sst s1;
	(tag) =	ssettag s2;
	_ =	strace s9  }
0x27: {  	s1 =	sld [smem:$0x3FAF]  }
0x28: {  	s2 =	sld [smem:$0x3FB0]  }
0x29: {  	s4 =	sld [smem:$0x3FB2]  }
0x2a: {  	p0 =	seq.s32 s5, $0x0;
	s5 =	sld [smem:$0x3FB3]  }
0x2b: {  	s6 =	sld [smem:$0x3FB4]  }
0x2c: {  	s7 =	sld [smem:$0x3FB5]  }
0x2d: {  	s3 =	simm.s32 $0x108;
	s8 =	sld [smem:$0x3FB6]  }
0x2e: {  	s3 =	simm.s32 @!p0 $0x1082;
	s9 =	sld [smem:$0x3FB7]  }
0x2f: {  	lr =	sadd.s32 s0, s3;
	s0 =	sld [smem:$0x3FAE]  }
0x30: {  	s3 =	sld [smem:$0x3FB1]  }
0x31: {  	[smem:$0x3FBA] =	sst s10  }
0x32: {  	s10 =	sld [smem:$0x3FB8];
	_ =	sdelay $0x3  }
0x33: {  	p0 =	seq.s32 s10, $0x1;
	s10 =	sld [smem:$0x3FBA];
	_ =	sdelay $0x3  }
0x34: {  	[smem:$0x3FBA] =	sst s10  }
0x35: {  	s10 =	sld [smem:$0x3FB9];
	_ =	sdelay $0x3  }
0x36: {  	p1 =	seq.s32 s10, $0x1;
	s10 =	sld [smem:$0x3FBA];
	_ =	sdelay $0x3  }
0x37: {  	[smem:$0x3FBA] =	sst s10  }
0x38: {  	s10 =	sld [smem:$0x3FBB]  }
0x39: {  	_ = 	snop;
	(pc) =	sbr.ind lr, $3  }
0x3a: {  	_ = 	snop  }
0x3b: {  	_ = 	snop  }
0x3c: {  	p2 =	seq.s32 s10, $0x1;
	s10 =	sld [smem:$0x3FBA]  }
0x3d: {  	_ =	shalt  }
0x3e: {  	_ =	shalt  }
0x3f: {  	_ =	shalt  }
0x40: {  	_ =	shalt  }
0x41: {  	_ =	shalt  }
0x42: {  	_ =	shalt  }
0x43: {  	_ =	shalt  }
0x44: {  	_ =	shalt  }
0x45: {  	_ =	shalt  }
0x46: {  	_ =	shalt  }
0x47: {  	_ =	shalt  }
0x48: {  	_ =	shalt  }
0x49: {  	_ =	shalt  }
0x4a: {  	_ =	shalt  }
0x4b: {  	_ =	shalt  }
0x4c: {  	_ =	shalt  }
0x4d: {  	_ =	shalt  }
0x4e: {  	_ =	shalt  }
0x4f: {  	_ =	shalt  }
0x50: {  	_ =	shalt  }
0x51: {  	_ =	shalt  }
0x52: {  	_ =	shalt  }
0x53: {  	_ =	shalt  }
0x54: {  	_ =	shalt  }
0x55: {  	_ =	shalt  }
0x56: {  	_ =	shalt  }
0x57: {  	_ =	shalt  }
0x58: {  	_ =	shalt  }
0x59: {  	_ =	shalt  }
0x5a: {  	_ =	shalt  }
0x5b: {  	_ =	shalt  }
0x5c: {  	_ =	shalt  }
0x5d: {  	_ =	shalt  }
0x5e: {  	_ =	shalt  }
0x5f: {  	_ =	shalt  }
0x60: {  	_ =	shalt  }
0x61: {  	_ =	shalt  }
0x62: {  	_ =	shalt  }
0x63: {  	_ =	shalt  }
0x64: {  	_ =	shalt  }
0x65: {  	_ =	shalt  }
0x66: {  	_ =	shalt  }
0x67: {  	_ =	shalt  }
0x68: {  	_ =	shalt  }
0x69: {  	_ =	shalt  }
0x6a: {  	_ =	shalt  }
0x6b: {  	_ =	shalt  }
0x6c: {  	_ =	shalt  }
0x6d: {  	_ =	shalt  }
0x6e: {  	_ =	shalt  }
0x6f: {  	_ =	shalt  }
0x70: {  	_ =	shalt  }
0x71: {  	_ =	shalt  }
0x72: {  	_ =	shalt  }
0x73: {  	_ =	shalt  }
0x74: {  	_ =	shalt  }
0x75: {  	_ =	shalt  }
0x76: {  	_ =	shalt  }
0x77: {  	_ =	shalt  }
0x78: {  	_ =	shalt  }
0x79: {  	_ =	shalt  }
0x7a: {  	_ =	shalt  }
0x7b: {  	_ =	shalt  }
0x7c: {  	_ =	shalt  }
0x7d: {  	_ =	shalt  }
0x7e: {  	_ =	shalt  }
0x7f: {  	_ =	shalt  }
0x80: {  	_ =	shalt  }
0x81: {  	_ =	shalt  }
0x82: {  	_ =	shalt  }
0x83: {  	_ =	shalt  }
0x84: {  	_ =	shalt  }
0x85: {  	_ =	shalt  }
0x86: {  	_ =	shalt  }
0x87: {  	_ =	shalt  }
.Lfunc_end0:
.L_simem_size_0:
called_computation_lowered:
.L_overlay_start_0:
0x88: {  	s2 =	sld [smem:$0x3FD9]  }
0x89: {  	s3 =	sld [smem:$0x3FFE];
	_ =	sdelay $0x1  }
0x8a: {  	s1 =	srdreg.scid  }
0x8b: {  	s0 =	sand.u32 $0x1, s1  }
0x8c: {  	s17 =	sshll.u32 s0, $0xA;
	s2 =	sadd.s32 s3, s2  }
0x8d: {  	s2 =	sadd.s32 s2, s17  }
0x8e: {  	[smem:$0x3FC6] =	sst s2  }
0x8f: {  	_ = 	snop  }
0x90: {  	s2 =	sld [smem:$0x3FC8]  }
0x91: {  	s18 =	sld [smem:$0x3FD0];
	(tm) =	ssettm $0x1  }
0x92: {  	s4 =	sld [smem:$0x3FFB];
	_ =	sdelay $0x3  }
0x93: {  	_ =	strace s4  }
0x94: {  	s4 =	sld [smem:$0x3FFC];
	_ =	sdelay $0x3  }
0x95: {  	_ =	strace s4  }
0x96: {  	s4 =	sld [smem:$0x3FFD];
	_ =	sdelay $0x3  }
0x97: {  	_ =	strace s4  }
0x98: {  	_ =	strace $0x8FFFFFFF  }
0x99: {  	s19 =	sld [smem:$0x3FDB];
	_ =	sdelay $0x1  }
0x9a: {  	s5 =	simm.s32 $_scs_section_size  }
0x9b: {  	s6 =	simm.s32 $_size__tile_overlayer_lowered;
	s7 =	simm.s32 $_tile_overlayer_lowered  }
0x9c: {  	s22 =	simm.s32 $0x1BFF;
	s21 =	sshll.u32 s7, $0x1;
	s4 =	sadd.s32 s5, s19  }
0x9d: {  	s8 =	simm.s32 $0x0;
	s20 =	sshll.u32 s6, $0x1;
	s6 =	sadd.s32 s21, s4  }
0x9e: {  	[timem:s8], [sflag:s22] =	dma.local [hbm:s6], s20  }
0x9f: {  	_ =	swait.ge [sflag:s22], s20  }
0xa0: {  	s5 =	ssub.s32 $0x0, s20;
	[sflag:s22] =	ssyncset.done $0x0  }
0xa1: {  	[sflag:s22] =	ssyncadd.s32 s5;
	_ =	sdelay $0x1  }
0xa2: {  	s23 =	simm.s32 $0x1B8B  }
0xa3: {  	_ =	swait.ge [sflag:s23], $0x1  }
0xa4: {  	[sflag:s23] =	ssyncset.done $0x0  }
0xa5: {  	s25 =	simm.s32 $0x1B8E;
	s24 =	sld [smem:$0x3FFE];
	[sflag:s23] =	ssyncadd.s32 $0xFFFFFFFF  }
0xa6: {  	s26 =	simm.s32 $execute0_lowered;
	[smem:$0x3FD2] =	sst s25  }
0xa7: {  	s6 =	sshll.u32 s26, $0x1;
	_ =	strace $0x80000046;
	[dreg:$0x1] =	wrdreg $0xFFFFFFFF  }
0xa8: {  	s28 =	simm.s32 $_size_execute0_lowered;
	s4 =	sadd.s32 s4, s6;
	[dreg:$0x0] =	wrdreg $0x0  }
0xa9: {  	s6 =	sshll.u32 s28, $0x1;
	[dreg:$0x2] =	wrdreg s4  }
0xaa: {  	[dreg:$0x3] =	wrdreg s6  }
0xab: {  	[dreg:$0x4] =	wrdreg $0xC0  }
0xac: {  	_ =	task [dreg:s8], $0x5FFFF  }
0xad: {  	[dreg:$0x1] =	wrdreg $0xFFFFFFFF  }
0xae: {  	[dreg:$0x0] =	wrdreg $0x60  }
0xaf: {  	[dreg:$0x2] =	wrdreg s24  }
0xb0: {  	[dreg:$0x3] =	wrdreg s2  }
0xb1: {  	[dreg:$0x4] =	wrdreg s18  }
0xb2: {  	[dreg:$0x5] =	wrdreg $0x1A4000  }
0xb3: {  	[dreg:$0x6] =	wrdreg $0x9  }
0xb4: {  	_ =	task.clear_ibuf [dreg:s8], $0x7FFFF;
	_ =	strace $0x90000046  }
0xb5: {  	s29 =	simm.s32 $0x9;
	_ =	strace $0x80000048  }
0xb6: {  	_ =	swait.ge [sflag:s29], $0x1  }
0xb7: {  	[sflag:s29] =	ssyncadd.s32 $0xFFFFFFFF  }
0xb8: {  	_ =	strace $0x90000048  }
0xb9: {  	_ =	sfence  }
0xba: {  	s30 =	sld [smem:$0x0];
	_ =	sdelay $0x2  }
0xbb: {  	s31 =	sshll.u32 s1, $0xD;
	s1 =	sshrl.u32 s1, $0x2  }
0xbc: {  	s3 =	sand.u32 $0x4000, s31;
	s1 =	sadd.s32 s1, s30  }
0xbd: {  	s0 =	sor.u32 s3, s0;
	s1 =	sshll.u32 s1, $0x11  }
0xbe: {  	s0 =	sor.u32 s1, s0  }
0xbf: {  	s0 =	sadd.s32 $0x8F2B, s0  }
0xc0: {  	[sflag:s0] =	ssyncadd.remote.s32 $0x1  }
0xc1: {  	_ =	sfence.sel $0xFFFF  }
0xc2: {  	[dreg:$0x0] =	wrdreg $0xFFFFFFFF;
	(pc) =	sbr.abs _section_cstart, $3  }
0xc3: {  	[dreg:$0x1] =	wrdreg $0xFFFFFFFF  }
0xc4: {  	_ =	task.clear_ibuf [dreg:s8], $0x2FFFF;
	_ =	strace $0x9FFFFFFF  }
0xc5: {  	(tm) =	ssettm $0x7FFFFFFF  }
tec
execute0_lowered:
.L_overlay_start_1:
0x0: {  	(tag) =	ssettag $0x1  }
0x1: {  	s4 =	rddreg [dreg:$0x0]  }
0x2: {  	s0 =	rddreg [dreg:$0x1]  }
0x3: {  	s5 =	rddreg [dreg:$0x2]  }
0x4: {  	s1 =	srdreg.scid;
	s6 =	stileid.u32  }
0x5: {  	s2 =	rddreg [dreg:$0x3];
	s3 =	simm.s32 $0x0;
	s12 =	simm.s32 $0x100  }
0x6: {  	s13 =	simm.s32 $0xE400;
	s14 =	simm.s32 $0x180;
	s15 =	simm.s32 $0x12400  }
0x7: {  	s16 =	simm.s32 $0x200;
	s17 =	simm.s32 $0x16400;
	s18 =	simm.s32 $0x1  }
0x8: {  	s19 =	simm.s32 $0x0;
	s7 =	sand.u32 $0x1, s1;
	s1 =	rddreg [dreg:$0x4]  }
0x9: {  	s8 =	sshll.u32 s6, $0x1;
	[smem:$0x7FF] =	sst s3;
	s10 =	smul.u32 $0xC8000, s6  }
0xa: {  	s8 =	sor.u32 s7, s8;
	s9 =	ssub.s32 $0x2, s7;
	s7 =	smul.u32 $0x64000, s7  }
0xb: {  	p0 =	sne.s32 s6, $0x0;
	_ =	strace $0x80000047;
	s8 =	smul.u32 $0x6400, s8  }
.Ltmp0:
0xc: {  	s11 =	sshrl.u32 s9, $0x1;
	s5 =	sadd.s32 s10, s5;
	(pc) =	sbr.rel .LBB2_1-.Ltmp0, $4  }
0xd: {  	s10 =	simm.s32 $0x6400;
	s31 =	ssub.s32 s9, s11;
	s7 =	sadd.s32 s7, s5  }
0xe: {  	s9 =	simm.s32 $0x80;
	s11 =	simm.s32 $0xA400;
	s8 =	sshrl.u32 s8, $0x3  }
0xf: {  	s5 =	smax.u32 s31, $0x1;
	s6 =	sadd.s32 $0x2000, s7;
	s4 =	sadd.s32 s8, s4  }
0x10: {  	s7 =	sshrl.u32 @!p0 s2, $0x3;
	s8 =	simm.s32 $0x2;
	s4 =	sadd.s32 $0x400, s4  }
.LBB2_4:
0x11: {  	s19 =	sadd.s32 $0x1, s19  }
0x12: {  	p1 =	sne.s32 s19, s5  }
.Ltmp1:
0x13: {  	_ = 	snop;
	(pc) =	sbr.rel @!p1 .LBB2_5-.Ltmp1, $1  }
0x14: {  	_ =	sdelay $0x3  }
.LBB2_1:
0x15: {  	s20 =	simm.s32 @!p0 $0x1C02  }
0x16: {  	[spmem:s7], [sflag:s20] =	dma.local @!p0 [hbm:s0], $0x800  }
0x17: {  	s20 =	simm.s32 @!p0 $0x2  }
0x18: {  	_ =	swait.ge @!p0 [sflag:s20], $0x800  }
0x19: {  	[sflag:s20] =	ssyncset.done @!p0 $0x0  }
0x1a: {  	[sflag:s20] =	ssyncadd.s32 @!p0 $0xFFFFF800  }
0x1b: {  	[tilespmem:s3], [sflag:$0x2] =	stream.linear.gather [hbm4b:s4+s3], $0x6400, $0x38;
	[tilespmem:$0x1A800] =	vst v63  }
0x1c: {  	_ =	swait.ge [sflag:s8], $0x6400  }
0x1d: {  	[sflag:s8] =	ssyncset.done $0x0  }
0x1e: {  	[sflag:s8] =	ssyncadd.s32 $0xFFFF9C00  }
0x1f: {  	[bflag:$0x0] =	sbarrier.arrive $0xFFFF  }
0x20: {  	[tilespmem:s10], [sflag:$0x1] =	stream.indirect.gather [spmem:s2], $0x80, s3, s9, $0xb8;
	[tilespmem:$0x1A800] =	vst v63  }
0x21: {  	_ = 	snop  }
0x22: {  	[tilespmem:s11], [sflag:$0x1] =	stream.indirect.gather [spmem:s2], $0x80, s9, s9, $0xb8;
	[tilespmem:$0x1A800] =	vst v63  }
0x23: {  	_ = 	snop  }
0x24: {  	[tilespmem:s13], [sflag:$0x1] =	stream.indirect.gather [spmem:s2], $0x80, s12, s9, $0xb8;
	[tilespmem:$0x1A800] =	vst v63  }
0x25: {  	_ = 	snop  }
0x26: {  	[tilespmem:s15], [sflag:$0x1] =	stream.indirect.gather [spmem:s2], $0x80, s14, s9, $0xb8;
	[tilespmem:$0x1A800] =	vst v63  }
0x27: {  	s21 =	simm.s32 $0x0;
	s20 =	smov.u32 s6  }
0x28: {  	[tilespmem:s17], [sflag:$0x1] =	stream.indirect.gather [spmem:s2], $0x80, s16, s9, $0xb8;
	[tilespmem:$0x1A800] =	vst v63  }
.LBB2_2:
0x29: {  	_ =	swait.ge [sflag:s18], $0x4000  }
0x2a: {  	[sflag:s18] =	ssyncset.done $0x0  }
0x2b: {  	s22 =	sadd.s32 $0xFFFFE000, s20;
	[sflag:s18] =	ssyncadd.s32 $0xFFFFC000  }
0x2c: {  	[hbm4b:s22+s3] =	stream.linear.scatter [tilespmem:s10], [sflag:$0x2], $0x4000, $0x38;
	[tilespmem:$0x1A800] =	vst v63  }
0x2d: {  	p1 =	seq.s32 s21, $0x18600;
	_ =	swait.ge [sflag:s8], $0x4000  }
0x2e: {  	s24 =	simm.s32 @!p1 $0x80;
	s22 =	sshra.s32 @!p1 s21, $0x2;
	[sflag:s8] =	ssyncset.done $0x0  }
0x2f: {  	s25 =	simm.s32 @!p1 $0x6400;
	s23 =	sadd.s32 @!p1 $0x280, s22;
	[sflag:s8] =	ssyncadd.s32 $0xFFFFC000  }
0x30: {  	[tilespmem:s25], [sflag:$0x1] =	stream.indirect.gather @!p1 [spmem:s2], $0x80, s23, s24, $0xb8;
	[tilespmem:$0x1A800] =	vst v63  }
0x31: {  	_ =	swait.ge [sflag:s18], $0x4000  }
0x32: {  	[sflag:s18] =	ssyncset.done $0x0  }
0x33: {  	s29 =	sadd.s32 $0xFFFFE800, s20;
	[sflag:s18] =	ssyncadd.s32 $0xFFFFC000  }
0x34: {  	[hbm4b:s29+s3] =	stream.linear.scatter [tilespmem:s11], [sflag:$0x2], $0x4000, $0x38;
	[tilespmem:$0x1A800] =	vst v63  }
0x35: {  	_ =	swait.ge [sflag:s8], $0x4000  }
0x36: {  	[sflag:s8] =	ssyncset.done $0x0  }
0x37: {  	s23 =	sadd.s32 @!p1 $0x300, s22;
	s25 =	simm.s32 @!p1 $0xA400;
	[sflag:s8] =	ssyncadd.s32 $0xFFFFC000  }
0x38: {  	[tilespmem:s25], [sflag:$0x1] =	stream.indirect.gather @!p1 [spmem:s2], $0x80, s23, s24, $0xb8;
	[tilespmem:$0x1A800] =	vst v63  }
0x39: {  	_ =	swait.ge [sflag:s18], $0x4000  }
0x3a: {  	[sflag:s18] =	ssyncset.done $0x0  }
0x3b: {  	s30 =	sadd.s32 $0xFFFFF000, s20;
	[sflag:s18] =	ssyncadd.s32 $0xFFFFC000  }
0x3c: {  	[hbm4b:s30+s3] =	stream.linear.scatter [tilespmem:s13], [sflag:$0x2], $0x4000, $0x38;
	[tilespmem:$0x1A800] =	vst v63  }
0x3d: {  	_ =	swait.ge [sflag:s8], $0x4000  }
0x3e: {  	[sflag:s8] =	ssyncset.done $0x0  }
0x3f: {  	s23 =	sadd.s32 @!p1 $0x380, s22;
	s25 =	simm.s32 @!p1 $0xE400;
	[sflag:s8] =	ssyncadd.s32 $0xFFFFC000  }
0x40: {  	[tilespmem:s25], [sflag:$0x1] =	stream.indirect.gather @!p1 [spmem:s2], $0x80, s23, s24, $0xb8;
	[tilespmem:$0x1A800] =	vst v63  }
0x41: {  	_ =	swait.ge [sflag:s18], $0x4000  }
0x42: {  	[sflag:s18] =	ssyncset.done $0x0  }
0x43: {  	s31 =	sadd.s32 $0xFFFFF800, s20;
	[sflag:s18] =	ssyncadd.s32 $0xFFFFC000  }
0x44: {  	[hbm4b:s31+s3] =	stream.linear.scatter [tilespmem:s15], [sflag:$0x2], $0x4000, $0x38;
	[tilespmem:$0x1A800] =	vst v63  }
0x45: {  	_ =	swait.ge [sflag:s8], $0x4000  }
0x46: {  	[sflag:s8] =	ssyncset.done $0x0  }
0x47: {  	s22 =	sadd.s32 @!p1 $0x400, s22;
	s23 =	simm.s32 @!p1 $0x12400;
	[sflag:s8] =	ssyncadd.s32 $0xFFFFC000  }
0x48: {  	[tilespmem:s23], [sflag:$0x1] =	stream.indirect.gather @!p1 [spmem:s2], $0x80, s22, s24, $0xb8;
	[tilespmem:$0x1A800] =	vst v63  }
0x49: {  	_ =	swait.ge [sflag:s18], $0x4000  }
0x4a: {  	[sflag:s18] =	ssyncset.done $0x0  }
.Ltmp2:
0x4b: {  	[sflag:s18] =	ssyncadd.s32 $0xFFFFC000;
	(pc) =	sbr.rel @p1 .LBB2_4-.Ltmp2, $4  }
0x4c: {  	[hbm4b:s20+s3] =	stream.linear.scatter [tilespmem:s17], [sflag:$0x2], $0x4000, $0x38;
	[tilespmem:$0x1A800] =	vst v63  }
0x4d: {  	_ =	swait.ge [sflag:s8], $0x4000  }
0x4e: {  	[sflag:s8] =	ssyncset.done $0x0  }
0x4f: {  	[sflag:s8] =	ssyncadd.s32 $0xFFFFC000  }
.Ltmp3:
0x50: {  	(pc) =	sbr.rel .LBB2_2-.Ltmp3, $4  }
0x51: {  	_ = 	snop  }
0x52: {  	s22 =	sshra.s32 s21, $0x2  }
0x53: {  	s21 =	sadd.s32 $0xA00, s21;
	s20 =	sadd.s32 $0x2800, s20;
	s22 =	sadd.s32 $0x480, s22  }
0x54: {  	[tilespmem:s17], [sflag:$0x1] =	stream.indirect.gather [spmem:s2], $0x80, s22, s9, $0xb8;
	[tilespmem:$0x1A800] =	vst v63  }
.LBB2_5:
0x55: {  	_ =	sfence.sel $0x180000  }
0x56: {  	[bflag:$0x0] =	sbarrier.arrive $0xFFFF  }
0x57: {  	_ =	strace $0x90000047  }
0x58: {  	s0 =	sadd.s32 @!p0 $0x100000, s1;
	[bflag:$0x2] =	sbarrier.arrive $0xFFFF  }
0x59: {  	[sflag:s0] =	ssyncadd.tile.s32 @!p0 $0x1;
	_ =	shalt  }
.Lfunc_end2:
_tile_overlayer_lowered:
.L_overlay_start_2:
0x5a: {  	(tag) =	ssettag $0x2  }
0x5b: {  	s0 =	rddreg [dreg:$0x0];
	s2 =	stileid.u32  }
0x5c: {  	s1 =	rddreg [dreg:$0x1];
	p0 =	sne.s32 s2, $0x0  }
0x5d: {  	s3 =	rddreg [dreg:$0x2];
	[bflag:$0x3] =	sbarrier.arrive $0xFFFF;
	s2 =	simm.s32 @!p0 $0x1C02  }
0x5e: {  	[timem:s3], [sflag:s2] =	dma.local @!p0 [hbm:s0], s1  }
0x5f: {  	s0 =	simm.s32 @!p0 $0x2  }
0x60: {  	_ =	swait.ge @!p0 [sflag:s0], s1  }
0x61: {  	s1 =	ssub.s32 @!p0 $0x0, s1;
	[sflag:s0] =	ssyncset.done @!p0 $0x0  }
0x62: {  	[sflag:s0] =	ssyncadd.s32 @!p0 s1  }
0x63: {  	[bflag:$0x3] =	sbarrier.arrive $0xFFFF  }
0x64: {  	_ =	shalt  }

</sc_bundles>
